<compile_context>
chip_gen: v7x
topology: tpu7x:2x2x1
jax: 0.10.2.dev20260603
libtpu: 0.0.44.dev20260713+nightly
codegen_flags: <defaults>
</compile_context>

<pallas_src>
import functools

import jax
import jax.numpy as jnp
from jax import lax
from jax.experimental import pallas as pl
from jax.experimental.pallas import tpu as pltpu
from jax.experimental.pallas import tpu_sc as plsc

B = 1024
L = 20
DIM = 100
ALPHA = 0.2
BB = 64
R = BB * L
GR = B // BB
DIMP = 128
NW = 32
CHUNK = 128


def _sc_gather(table, idx):
    n = idx.shape[0]
    d = table.shape[1]
    per_w = n // NW
    nchunks = per_w // CHUNK
    mesh = plsc.VectorSubcoreMesh(core_axis_name="c", subcore_axis_name="s")

    @functools.partial(
        pl.kernel,
        out_type=jax.ShapeDtypeStruct((n, d), jnp.float32),
        mesh=mesh,
        scratch_types=[
            pltpu.VMEM((per_w,), jnp.int32),
            pltpu.VMEM((CHUNK, d), jnp.float32),
            pltpu.SemaphoreType.DMA,
        ],
        name="sc_gather3",
    )
    def k(table_hbm, idx_hbm, out_hbm, idx_v, rows_v, sem):
        wid = lax.axis_index("s") * 2 + lax.axis_index("c")
        base = wid * per_w
        pltpu.sync_copy(idx_hbm.at[pl.ds(base, per_w)], idx_v)

        def body(i, carry):
            off = i * CHUNK
            pltpu.async_copy(
                table_hbm.at[idx_v.at[pl.ds(off, CHUNK)]], rows_v, sem
            ).wait()
            pltpu.sync_copy(rows_v, out_hbm.at[pl.ds(base + off, CHUNK)])
            return carry

        lax.fori_loop(0, nchunks, body, 0)

    return k(table, idx)


def _pad_rows(emb):
    rows = emb.shape[0]
    blk = 2000

    def body(s_ref, d_ref):
        d_ref[:, :DIM] = s_ref[...]
        d_ref[:, DIM:] = jnp.zeros((blk, DIMP - DIM), jnp.float32)

    return pl.pallas_call(
        body,
        grid=rows // blk,
        in_specs=[pl.BlockSpec((blk, DIM), lambda g: (g, 0))],
        out_specs=pl.BlockSpec((blk, DIMP), lambda g: (g, 0)),
        out_shape=jax.ShapeDtypeStruct((rows, DIMP), jnp.float32),
        compiler_params=pltpu.CompilerParams(
            dimension_semantics=("arbitrary",),
        ),
    )(emb)


def _leaky(x):
    return jnp.where(x >= 0, x, ALPHA * x)


def _tc_body(h1_ref, h2_ref, hm_ref, adj_ref, tadj_ref, adjid_ref,
             la1_ref, mix_ref, weio_ref, win_ref, wout_ref, whh_ref,
             beio_ref, biaoh_ref, bih_ref, bhh_ref,
             o1_ref, o2_ref, om_ref):
    big_neg = jnp.float32(-9e15)

    def local_agg(h, adjt, a_ref, o_ref):
        h3 = h.reshape(BB, L, DIMP)
        alpha = jnp.full((BB, L, L), big_neg, jnp.float32)
        for k in range(4):
            hw3 = (h * a_ref[k:k + 1, :]).reshape(BB, L, DIMP)
            g = lax.dot_general(hw3, h3, (((2,), (2,)), ((0,), (0,))),
                                preferred_element_type=jnp.float32)
            alpha = jnp.where(adjt == k + 1, _leaky(g), alpha)
        alpha = alpha - jnp.max(alpha, axis=2, keepdims=True)
        p = jnp.exp(alpha)
        alpha = p * (1.0 / jnp.sum(p, axis=2, keepdims=True))
        o = lax.dot_general(alpha, h3, (((2,), (1,)), ((0,), (0,))),
                            preferred_element_type=jnp.float32)
        o_ref[...] = o[:, :, :DIM]

    h1 = h1_ref[...]
    h2 = h2_ref[...]
    hm = hm_ref[...]

    local_agg(h1, adj_ref[...], la1_ref, o1_ref)
    local_agg(hm, tadj_ref[...], mix_ref, om_ref)

    adjid = adjid_ref[...]
    x_all = jnp.dot(h2, weio_ref[...], preferred_element_type=jnp.float32) + beio_ref[...]
    bdot = lambda a, x: lax.dot_general(a, x, (((2,), (1,)), ((0,), (0,))),
                                        preferred_element_type=jnp.float32)
    x_in3 = x_all[:, :DIMP].reshape(BB, L, DIMP)
    x_out3 = x_all[:, DIMP:].reshape(BB, L, DIMP)
    input_in = bdot(adjid[:, :, :L], x_in3).reshape(R, DIMP) + biaoh_ref[:, :DIMP]
    input_out = bdot(adjid[:, :, L:], x_out3).reshape(R, DIMP) + biaoh_ref[:, DIMP:]
    gi = (jnp.dot(input_in, win_ref[...], preferred_element_type=jnp.float32)
          + jnp.dot(input_out, wout_ref[...], preferred_element_type=jnp.float32)
          + bih_ref[...])
    gh = jnp.dot(h2, whh_ref[...], preferred_element_type=jnp.float32) + bhh_ref[...]
    s = DIMP
    resetgate = jax.nn.sigmoid(gi[:, :DIM] + gh[:, :DIM])
    inputgate = jax.nn.sigmoid(gi[:, s:s + DIM] + gh[:, s:s + DIM])
    newgate = jnp.tanh(gi[:, 2 * s:2 * s + DIM] + resetgate * gh[:, 2 * s:2 * s + DIM])
    h2s = h2[:, :DIM]
    o2_ref[...] = (newgate + inputgate * (newgate - h2s)).reshape(BB, L, DIM)


def _tc_compute(rows, adj, tadj, adj_ID, weights):
    nb = (B * L) // R
    full = lambda s: pl.BlockSpec(s, lambda g: tuple(0 for _ in s))
    in_specs = [
        pl.BlockSpec((R, DIMP), lambda g: (g, 0)),
        pl.BlockSpec((R, DIMP), lambda g: (g + nb, 0)),
        pl.BlockSpec((R, DIMP), lambda g: (g + 2 * nb, 0)),
        pl.BlockSpec((BB, L, L), lambda g: (g, 0, 0)),
        pl.BlockSpec((BB, L, L), lambda g: (g, 0, 0)),
        pl.BlockSpec((BB, L, 2 * L), lambda g: (g, 0, 0)),
        full((4, DIMP)), full((4, DIMP)),
        full((DIMP, 2 * DIMP)), full((DIMP, 3 * DIMP)), full((DIMP, 3 * DIMP)),
        full((DIMP, 3 * DIMP)),
        full((1, 2 * DIMP)), full((1, 2 * DIMP)), full((1, 3 * DIMP)),
        full((1, 3 * DIMP)),
    ]
    o_spec = pl.BlockSpec((BB, L, DIM), lambda g: (g, 0, 0))
    out_shape = tuple(jax.ShapeDtypeStruct((B, L, DIM), jnp.float32) for _ in range(3))
    return pl.pallas_call(
        _tc_body,
        grid=GR,
        in_specs=in_specs,
        out_specs=(o_spec, o_spec, o_spec),
        out_shape=out_shape,
        compiler_params=pltpu.CompilerParams(
            dimension_semantics=("arbitrary",),
        ),
    )(rows, rows, rows, adj, tadj, adj_ID, *weights)


def _stack_lanes(ws, width):
    out = jnp.zeros((DIMP, width), jnp.float32)
    for i, w in enumerate(ws):
        out = out.at[:DIM, i * DIMP:i * DIMP + DIM].set(w)
    return out


def _stack_bias(bs, width):
    out = jnp.zeros((1, width), jnp.float32)
    for i, b in enumerate(bs):
        out = out.at[0, i * DIMP:i * DIMP + DIM].set(b)
    return out


def kernel(inputs, adj, mask_item, item, items_ID, adj_ID, total_items, total_adj,
           embedding, la1_a, mix_a, Wei, bei, Weo, beo, w_ih, w_hh, b_ih, b_hh,
           b_iah, b_oah):
    n = B * L
    idx_all = jnp.concatenate([
        inputs.reshape(-1), items_ID.reshape(-1), total_items.reshape(-1)
    ]).astype(jnp.int32)
    emb_p = _pad_rows(embedding)
    rows = _sc_gather(emb_p, idx_all)

    pad4 = lambda w: jnp.pad(w.T, ((0, 0), (0, DIMP - DIM)))
    weights = (
        pad4(la1_a), pad4(mix_a),
        _stack_lanes([Wei.T, Weo.T], 2 * DIMP),
        _stack_lanes([w_ih[0:DIM, 0:DIM].T, w_ih[DIM:2 * DIM, 0:DIM].T,
                      w_ih[2 * DIM:, 0:DIM].T], 3 * DIMP),
        _stack_lanes([w_ih[0:DIM, DIM:].T, w_ih[DIM:2 * DIM, DIM:].T,
                      w_ih[2 * DIM:, DIM:].T], 3 * DIMP),
        _stack_lanes([w_hh[0:DIM].T, w_hh[DIM:2 * DIM].T, w_hh[2 * DIM:].T],
                     3 * DIMP),
        _stack_bias([bei, beo], 2 * DIMP),
        _stack_bias([b_iah, b_oah], 2 * DIMP),
        _stack_bias([b_ih[0:DIM], b_ih[DIM:2 * DIM], b_ih[2 * DIM:]], 3 * DIMP),
        _stack_bias([b_hh[0:DIM], b_hh[DIM:2 * DIM], b_hh[2 * DIM:]], 3 * DIMP),
    )
    return _tc_compute(rows, adj.astype(jnp.int32), total_adj.astype(jnp.int32),
                       adj_ID, weights)

# --- scband reference (transcript-rebuilt; emitter-appended) ---
"""Pipeline reference for scband-combine-graph-31464930411171 (READ-ONLY COPY).

The authoritative reference and input builder live on the scoring server;
editing this copy changes nothing except your own understanding.
"""

import jax, jax.numpy as jnp
import numpy as np

B = 1024
L = 20
DIM = 100
NUM_TOTAL = 100000
ALPHA = 0.2


def setup_inputs(seed: int = 0):
    key = jax.random.key(seed)
    ks = jax.random.split(key, 24)
    stdv = 1.0 / float(np.sqrt(DIM))

    def u(k, shape):
        return jax.random.uniform(k, shape, jnp.float32, -stdv, stdv)

    return {
        "inputs": jax.random.randint(ks[0], (B, L), 0, NUM_TOTAL),
        "adj": jax.random.randint(ks[1], (B, L, L), 0, 5),
        "mask_item": jax.random.randint(ks[2], (B, L), 0, 2),
        "item": jax.random.randint(ks[3], (B, L), 0, NUM_TOTAL),
        "items_ID": jax.random.randint(ks[4], (B, L), 0, NUM_TOTAL),
        "adj_ID": jax.random.uniform(ks[5], (B, L, 2 * L), jnp.float32),
        "total_items": jax.random.randint(ks[6], (B, L), 0, NUM_TOTAL),
        "total_adj": jax.random.randint(ks[7], (B, L, L), 0, 5),
        "embedding": u(ks[8], (NUM_TOTAL, DIM)),
        "la1_a": u(ks[9], (DIM, 4)),
        "mix_a": u(ks[10], (DIM, 4)),
        "Wei": u(ks[11], (DIM, DIM)),
        "bei": u(ks[12], (DIM,)),
        "Weo": u(ks[13], (DIM, DIM)),
        "beo": u(ks[14], (DIM,)),
        "w_ih": u(ks[15], (3 * DIM, 2 * DIM)),
        "w_hh": u(ks[16], (3 * DIM, DIM)),
        "b_ih": u(ks[17], (3 * DIM,)),
        "b_hh": u(ks[18], (3 * DIM,)),
        "b_iah": u(ks[19], (DIM,)),
        "b_oah": u(ks[20], (DIM,)),
    }


def _local_agg(h, adj, a_stack):
    # a_input[b,i,j,:] = h[b,i,:] * h[b,j,:]  (faithful to torch repeat/view construction)
    a_input = h[:, :, None, :] * h[:, None, :, :]
    e = jax.nn.leaky_relu(jnp.einsum('bijd,dk->bijk', a_input, a_stack), ALPHA)
    big_neg = jnp.full(adj.shape, -9e15, jnp.float32)
    alpha = jnp.where(adj == 1, e[..., 0], big_neg)
    alpha = jnp.where(adj == 2, e[..., 1], alpha)
    alpha = jnp.where(adj == 3, e[..., 2], alpha)
    alpha = jnp.where(adj == 4, e[..., 3], alpha)
    alpha = jax.nn.softmax(alpha, axis=-1)
    return jnp.matmul(alpha, h)


def _gnn_cell(A, hidden, Wei, bei, Weo, beo, w_ih, w_hh, b_ih, b_hh, b_iah, b_oah):
    # SR-GNN gated graph cell, step=1 (GNN(100) default)
    N = hidden.shape[1]
    input_in = jnp.matmul(A[:, :, :N], hidden @ Wei.T + bei) + b_iah
    input_out = jnp.matmul(A[:, :, N:2 * N], hidden @ Weo.T + beo) + b_oah
    inputs = jnp.concatenate([input_in, input_out], axis=2)
    gi = inputs @ w_ih.T + b_ih
    gh = hidden @ w_hh.T + b_hh
    i_r, i_i, i_n = jnp.split(gi, 3, axis=2)
    h_r, h_i, h_n = jnp.split(gh, 3, axis=2)
    resetgate = jax.nn.sigmoid(i_r + h_r)
    inputgate = jax.nn.sigmoid(i_i + h_i)
    newgate = jnp.tanh(i_n + resetgate * h_n)
    return newgate + inputgate * (newgate - hidden)


def reference(inputs, adj, mask_item, item, items_ID, adj_ID, total_items, total_adj,
              embedding, la1_a, mix_a, Wei, bei, Weo, beo, w_ih, w_hh, b_ih, b_hh, b_iah, b_oah):
    h1 = jnp.take(embedding, inputs, axis=0)
    h2 = jnp.take(embedding, items_ID, axis=0)
    hm = jnp.take(embedding, total_items, axis=0)
    h1 = _local_agg(h1, adj, la1_a)
    h2 = _gnn_cell(adj_ID, h2, Wei, bei, Weo, beo, w_ih, w_hh, b_ih, b_hh, b_iah, b_oah)
    hm = _local_agg(hm, total_adj, mix_a)
    # dropout_local = 0.0 -> identity
    return (h1, h2, hm)

if __name__ == "__main__":
    import jax
    _d = setup_inputs()
    print(jax.jit(kernel)(*tuple(_d.values())))

</pallas_src>

<mosaic_0001>
#map = affine_map<(d0, d1) -> (0, 0)>
#map1 = affine_map<(d0, d1) -> (0)>
module attributes {stable_mosaic.version = 14 : i64} {
  func.func @sc_gather3(%arg0: i32, %arg1: i32, %arg2: memref<100000x128xf32, #tpu.memory_space<hbm>>, %arg3: memref<61440xi32, #tpu.memory_space<hbm>>, %arg4: memref<61440x128xf32, #tpu.memory_space<hbm>>, %arg5: memref<1920xi32, #tpu.memory_space<vmem>>, %arg6: memref<128x128xf32, #tpu.memory_space<vmem>>, %arg7: memref<!tpu.dma_semaphore, #tpu.memory_space<semaphore_mem>>) attributes {dimension_semantics = [#tpu.dimension_semantics<core_parallel>, #tpu.dimension_semantics<subcore_parallel>], iteration_bounds = array<i64: 2, 16>, scalar_prefetch = 0 : i64, scratch_operands = 3 : i64, tpu.core_type = #tpu.core_type<sc_vector_subcore>, window_params = [{transform_indices = #map}, {transform_indices = #map1}, {transform_indices = #map}]} {
    %mul3A = arith.constant 2 : i32
    %mul3A_0 = arith.muli %arg1, %mul3A : i32
    %add3A = arith.addi %mul3A_0, %arg0 : i32
    %mul3A_1 = arith.constant 1920 : i32
    %mul3A_2 = arith.muli %add3A, %mul3A_1 : i32
    "tpu.region"() ({
      %run_scoped3A = tpu.sem_alloc : memref<!tpu.dma_semaphore, #tpu.memory_space<semaphore_mem>>
      %dma_start3A = tpu.memref_slice %arg3[%mul3A_2] : memref<61440xi32, #tpu.memory_space<hbm>> -> memref<1920xi32, #tpu.memory_space<hbm>>
      %dma_start3A_8 = tpu.memref_slice %arg3[%mul3A_2] : memref<61440xi32, #tpu.memory_space<hbm>> -> memref<1920xi32, #tpu.memory_space<hbm>>
      tpu.enqueue_dma source(%dma_start3A_8 : memref<1920xi32, #tpu.memory_space<hbm>>) target(%arg5 : memref<1920xi32, #tpu.memory_space<vmem>>) target_semaphore(%run_scoped3A : memref<!tpu.dma_semaphore, #tpu.memory_space<semaphore_mem>>)
      %dma_wait3A = tpu.memref_slice %arg3[%mul3A_2] : memref<61440xi32, #tpu.memory_space<hbm>> -> memref<1920xi32, #tpu.memory_space<hbm>>
      %dma_wait3A_9 = tpu.memref_slice %arg3[%mul3A_2] : memref<61440xi32, #tpu.memory_space<hbm>> -> memref<1920xi32, #tpu.memory_space<hbm>>
      tpu.wait_dma2 semaphore(%run_scoped3A : memref<!tpu.dma_semaphore, #tpu.memory_space<semaphore_mem>>) src(%dma_wait3A_9 : memref<1920xi32, #tpu.memory_space<hbm>>) dst(%arg5 : memref<1920xi32, #tpu.memory_space<vmem>>)
      tpu.yield
    }) : () -> ()
    %scan3A = arith.constant 0 : i32
    %scan3A_3 = arith.constant 0 : i32
    %scan3A_4 = arith.constant 15 : i32
    %scan3A_5 = arith.addi %scan3A_3, %scan3A_4 : i32
    %scan3A_6 = arith.constant 1 : i32
    scf.for %scan3A_8 = %scan3A_3 to %scan3A_5 step %scan3A_6  : i32 {
      %mul3A_9 = arith.constant 128 : i32
      %mul3A_10 = arith.muli %scan3A_8, %mul3A_9 : i32
      %dma_start3A = tpu.memref_slice %arg5[%mul3A_10] : memref<1920xi32, #tpu.memory_space<vmem>> -> memref<128xi32, #tpu.memory_space<vmem>>
      %dma_start3A_11 = arith.constant 0 : i32
      %dma_start3A_12 = arith.constant 0 : i32
      %dma_start3A_13 = tpu.memref_slice %arg2[%dma_start3A_11, %dma_start3A_12] : memref<100000x128xf32, #tpu.memory_space<hbm>> -> memref<100000x128xf32, #tpu.memory_space<hbm>>
      tpu.enqueue_indirect_dma source(%dma_start3A_13 : memref<100000x128xf32, #tpu.memory_space<hbm>>) target(%arg6 : memref<128x128xf32, #tpu.memory_space<vmem>>) offsets(%dma_start3A : memref<128xi32, #tpu.memory_space<vmem>>) semaphore(%arg7 : memref<!tpu.dma_semaphore, #tpu.memory_space<semaphore_mem>>)
      %dma_wait3A = tpu.memref_slice %arg5[%mul3A_10] : memref<1920xi32, #tpu.memory_space<vmem>> -> memref<128xi32, #tpu.memory_space<vmem>>
      %dma_wait3A_14 = arith.constant 0 : i32
      %dma_wait3A_15 = arith.constant 0 : i32
      %dma_wait3A_16 = tpu.memref_slice %arg2[%dma_wait3A_14, %dma_wait3A_15] : memref<100000x128xf32, #tpu.memory_space<hbm>> -> memref<100000x128xf32, #tpu.memory_space<hbm>>
      tpu.wait_indirect_dma semaphore(%arg7 : memref<!tpu.dma_semaphore, #tpu.memory_space<semaphore_mem>>) src(%dma_wait3A_16 : memref<100000x128xf32, #tpu.memory_space<hbm>>) dst(%arg6 : memref<128x128xf32, #tpu.memory_space<vmem>>)
      %add3A_17 = arith.addi %mul3A_2, %mul3A_10 : i32
      "tpu.region"() ({
        %run_scoped3A = tpu.sem_alloc : memref<!tpu.dma_semaphore, #tpu.memory_space<semaphore_mem>>
        %dma_start3A_18 = arith.constant 0 : i32
        %dma_start3A_19 = tpu.memref_slice %arg4[%add3A_17, %dma_start3A_18] : memref<61440x128xf32, #tpu.memory_space<hbm>> -> memref<128x128xf32, #tpu.memory_space<hbm>>
        %dma_start3A_20 = arith.constant 0 : i32
        %dma_start3A_21 = tpu.memref_slice %arg4[%add3A_17, %dma_start3A_20] : memref<61440x128xf32, #tpu.memory_space<hbm>> -> memref<128x128xf32, #tpu.memory_space<hbm>>
        tpu.enqueue_dma source(%arg6 : memref<128x128xf32, #tpu.memory_space<vmem>>) target(%dma_start3A_21 : memref<128x128xf32, #tpu.memory_space<hbm>>) target_semaphore(%run_scoped3A : memref<!tpu.dma_semaphore, #tpu.memory_space<semaphore_mem>>)
        %dma_wait3A_22 = arith.constant 0 : i32
        %dma_wait3A_23 = tpu.memref_slice %arg4[%add3A_17, %dma_wait3A_22] : memref<61440x128xf32, #tpu.memory_space<hbm>> -> memref<128x128xf32, #tpu.memory_space<hbm>>
        %dma_wait3A_24 = arith.constant 0 : i32
        %dma_wait3A_25 = tpu.memref_slice %arg4[%add3A_17, %dma_wait3A_24] : memref<61440x128xf32, #tpu.memory_space<hbm>> -> memref<128x128xf32, #tpu.memory_space<hbm>>
        tpu.wait_dma2 semaphore(%run_scoped3A : memref<!tpu.dma_semaphore, #tpu.memory_space<semaphore_mem>>) src(%arg6 : memref<128x128xf32, #tpu.memory_space<vmem>>) dst(%dma_wait3A_25 : memref<128x128xf32, #tpu.memory_space<hbm>>)
        tpu.yield
      }) : () -> ()
    }
    %scan3A_7 = arith.constant 15 : i32
    return
  }
}

module attributes {stable_mosaic.version = 14 : i64} {
  func.func @body(%arg0: i32, %arg1: memref<2000x100xf32, #tpu.memory_space<vmem>>, %arg2: memref<2000x128xf32, #tpu.memory_space<vmem>>) attributes {dimension_semantics = [#tpu.dimension_semantics<arbitrary>], iteration_bounds = array<i64: 50>, scalar_prefetch = 0 : i64, scratch_operands = 0 : i64, tpu.core_type = #tpu.core_type<tc>, window_params = [{transform_indices = @transform_0, window_bounds = array<i64: 2000, 100>}, {transform_indices = @transform_1, window_bounds = array<i64: 2000, 128>}]} {
    %get3A = arith.constant 0 : index
    %get3A_0 = arith.constant 0 : index
    %get3A_1 = vector.load %arg1[%get3A, %get3A_0] : memref<2000x100xf32, #tpu.memory_space<vmem>>, vector<2000x100xf32>
    %swap3A = arith.constant 0 : index
    %swap3A_2 = arith.constant 0 : index
    %swap3A_3 = vector.load %arg2[%swap3A, %swap3A_2] : memref<2000x128xf32, #tpu.memory_space<vmem>>, vector<2000x100xf32>
    tpu.vector_store %arg2[%swap3A, %swap3A_2], %get3A_1 {strides = array<i32>} : memref<2000x128xf32, #tpu.memory_space<vmem>>, vector<2000x100xf32>,
    %broadcast_in_dim3A = arith.constant 0.000000e+00 : f32
    %broadcast_in_dim3A_4 = vector.broadcast %broadcast_in_dim3A : f32 to vector<2000x28xf32>
    %swap3A_5 = arith.constant 0 : index
    %swap3A_6 = arith.constant 100 : index
    %swap3A_7 = vector.load %arg2[%swap3A_5, %swap3A_6] : memref<2000x128xf32, #tpu.memory_space<vmem>>, vector<2000x28xf32>
    tpu.vector_store %arg2[%swap3A_5, %swap3A_6], %broadcast_in_dim3A_4 {strides = array<i32>} : memref<2000x128xf32, #tpu.memory_space<vmem>>, vector<2000x28xf32>,
    return
  }
  func.func @transform_0(%arg0: i32) -> (i32, i32) {
    %c0_i32 = arith.constant 0 : i32
    %c0_i32_0 = arith.constant 0 : i32
    return %arg0, %c0_i32 : i32, i32
  }
  func.func @transform_1(%arg0: i32) -> (i32, i32) {
    %c0_i32 = arith.constant 0 : i32
    %c0_i32_0 = arith.constant 0 : i32
    return %arg0, %c0_i32 : i32, i32
  }
}

module attributes {stable_mosaic.version = 14 : i64} {
  func.func @_tc_body(%arg0: i32, %arg1: memref<1280x128xf32, #tpu.memory_space<vmem>>, %arg2: memref<1280x128xf32, #tpu.memory_space<vmem>>, %arg3: memref<1280x128xf32, #tpu.memory_space<vmem>>, %arg4: memref<64x20x20xi32, #tpu.memory_space<vmem>>, %arg5: memref<64x20x20xi32, #tpu.memory_space<vmem>>, %arg6: memref<64x20x40xf32, #tpu.memory_space<vmem>>, %arg7: memref<4x128xf32, #tpu.memory_space<vmem>>, %arg8: memref<4x128xf32, #tpu.memory_space<vmem>>, %arg9: memref<128x256xf32, #tpu.memory_space<vmem>>, %arg10: memref<128x384xf32, #tpu.memory_space<vmem>>, %arg11: memref<128x384xf32, #tpu.memory_space<vmem>>, %arg12: memref<128x384xf32, #tpu.memory_space<vmem>>, %arg13: memref<1x256xf32, #tpu.memory_space<vmem>>, %arg14: memref<1x256xf32, #tpu.memory_space<vmem>>, %arg15: memref<1x384xf32, #tpu.memory_space<vmem>>, %arg16: memref<1x384xf32, #tpu.memory_space<vmem>>, %arg17: memref<64x20x100xf32, #tpu.memory_space<vmem>>, %arg18: memref<64x20x100xf32, #tpu.memory_space<vmem>>, %arg19: memref<64x20x100xf32, #tpu.memory_space<vmem>>) attributes {dimension_semantics = [#tpu.dimension_semantics<arbitrary>], iteration_bounds = array<i64: 16>, scalar_prefetch = 0 : i64, scratch_operands = 0 : i64, tpu.core_type = #tpu.core_type<tc>, window_params = [{transform_indices = @transform_0, window_bounds = array<i64: 1280, 128>}, {transform_indices = @transform_1, window_bounds = array<i64: 1280, 128>}, {transform_indices = @transform_2, window_bounds = array<i64: 1280, 128>}, {transform_indices = @transform_3, window_bounds = array<i64: 64, 20, 20>}, {transform_indices = @transform_4, window_bounds = array<i64: 64, 20, 20>}, {transform_indices = @transform_5, window_bounds = array<i64: 64, 20, 40>}, {pipeline_mode = #tpu.pipeline_mode<synchronous>, transform_indices = @transform_6, window_bounds = array<i64: 4, 128>}, {pipeline_mode = #tpu.pipeline_mode<synchronous>, transform_indices = @transform_7, window_bounds = array<i64: 4, 128>}, {pipeline_mode = #tpu.pipeline_mode<synchronous>, transform_indices = @transform_8, window_bounds = array<i64: 128, 256>}, {pipeline_mode = #tpu.pipeline_mode<synchronous>, transform_indices = @transform_9, window_bounds = array<i64: 128, 384>}, {pipeline_mode = #tpu.pipeline_mode<synchronous>, transform_indices = @transform_10, window_bounds = array<i64: 128, 384>}, {pipeline_mode = #tpu.pipeline_mode<synchronous>, transform_indices = @transform_11, window_bounds = array<i64: 128, 384>}, {pipeline_mode = #tpu.pipeline_mode<synchronous>, transform_indices = @transform_12, window_bounds = array<i64: 1, 256>}, {pipeline_mode = #tpu.pipeline_mode<synchronous>, transform_indices = @transform_13, window_bounds = array<i64: 1, 256>}, {pipeline_mode = #tpu.pipeline_mode<synchronous>, transform_indices = @transform_14, window_bounds = array<i64: 1, 384>}, {pipeline_mode = #tpu.pipeline_mode<synchronous>, transform_indices = @transform_15, window_bounds = array<i64: 1, 384>}, {transform_indices = @transform_16, window_bounds = array<i64: 64, 20, 100>}, {transform_indices = @transform_17, window_bounds = array<i64: 64, 20, 100>}, {transform_indices = @transform_18, window_bounds = array<i64: 64, 20, 100>}]} {
    %get3A = arith.constant 0 : index
    %get3A_0 = arith.constant 0 : index
    %get3A_1 = vector.load %arg1[%get3A, %get3A_0] : memref<1280x128xf32, #tpu.memory_space<vmem>>, vector<1280x128xf32>
    %get3A_2 = arith.constant 0 : index
    %get3A_3 = arith.constant 0 : index
    %get3A_4 = vector.load %arg2[%get3A_2, %get3A_3] : memref<1280x128xf32, #tpu.memory_space<vmem>>, vector<1280x128xf32>
    %get3A_5 = arith.constant 0 : index
    %get3A_6 = arith.constant 0 : index
    %get3A_7 = vector.load %arg3[%get3A_5, %get3A_6] : memref<1280x128xf32, #tpu.memory_space<vmem>>, vector<1280x128xf32>
    %get3A_8 = arith.constant 0 : index
    %get3A_9 = arith.constant 0 : index
    %get3A_10 = arith.constant 0 : index
    %get3A_11 = vector.load %arg4[%get3A_8, %get3A_9, %get3A_10] : memref<64x20x20xi32, #tpu.memory_space<vmem>>, vector<64x20x20xi32>
    %reshape3A = vector.shape_cast %get3A_1 : vector<1280x128xf32> to vector<64x20x128xf32>
    %broadcast_in_dim3A = arith.constant -9.000000e+15 : f32
    %broadcast_in_dim3A_12 = vector.broadcast %broadcast_in_dim3A : f32 to vector<64x20x20xf32>
    %get3A_13 = arith.constant 0 : index
    %get3A_14 = arith.constant 0 : index
    %get3A_15 = vector.load %arg7[%get3A_13, %get3A_14] : memref<4x128xf32, #tpu.memory_space<vmem>>, vector<1x128xf32>
    %mul3A = vector.broadcast %get3A_15 : vector<1x128xf32> to vector<1280x128xf32>
    %mul3A_16 = arith.mulf %get3A_1, %mul3A : vector<1280x128xf32>
    %reshape3A_17 = vector.shape_cast %mul3A_16 : vector<1280x128xf32> to vector<64x20x128xf32>
    %dot_general3A = arith.constant dense<0.000000e+00> : vector<64x20x20xf32>
    %dot_general3A_18 = tpu.matmul %reshape3A_17, %reshape3A, %dot_general3A {dimension_numbers = #tpu.dot_dimension_numbers<[2], [2], [1], [1], [0, 0, 0, 1, 1, 1], [0], [0]>, transpose_lhs_hint = false} : vector<64x20x128xf32>, vector<64x20x128xf32>, vector<64x20x20xf32> -> vector<64x20x20xf32>
    %eq3A = arith.constant 1 : i32
    %eq3A_19 = vector.broadcast %eq3A : i32 to vector<64x20x20xi32>
    %eq3A_20 = arith.cmpi eq, %get3A_11, %eq3A_19 : vector<64x20x20xi32>
    %ge3A = arith.constant 0.000000e+00 : f32
    %ge3A_21 = vector.broadcast %ge3A : f32 to vector<64x20x20xf32>
    %ge3A_22 = arith.cmpf oge, %dot_general3A_18, %ge3A_21 : vector<64x20x20xf32>
    %mul3A_23 = arith.constant 2.000000e-01 : f32
    %mul3A_24 = vector.broadcast %mul3A_23 : f32 to vector<64x20x20xf32>
    %mul3A_25 = arith.mulf %mul3A_24, %dot_general3A_18 : vector<64x20x20xf32>
    %select_n3A = arith.select %ge3A_22, %dot_general3A_18, %mul3A_25 : vector<64x20x20xi1>, vector<64x20x20xf32>
    %select_n3A_26 = arith.select %eq3A_20, %select_n3A, %broadcast_in_dim3A_12 : vector<64x20x20xi1>, vector<64x20x20xf32>
    %get3A_27 = arith.constant 1 : index
    %get3A_28 = arith.constant 0 : index
    %get3A_29 = vector.load %arg7[%get3A_27, %get3A_28] : memref<4x128xf32, #tpu.memory_space<vmem>>, vector<1x128xf32>
    %mul3A_30 = vector.broadcast %get3A_29 : vector<1x128xf32> to vector<1280x128xf32>
    %mul3A_31 = arith.mulf %get3A_1, %mul3A_30 : vector<1280x128xf32>
    %reshape3A_32 = vector.shape_cast %mul3A_31 : vector<1280x128xf32> to vector<64x20x128xf32>
    %dot_general3A_33 = arith.constant dense<0.000000e+00> : vector<64x20x20xf32>
    %dot_general3A_34 = tpu.matmul %reshape3A_32, %reshape3A, %dot_general3A_33 {dimension_numbers = #tpu.dot_dimension_numbers<[2], [2], [1], [1], [0, 0, 0, 1, 1, 1], [0], [0]>, transpose_lhs_hint = false} : vector<64x20x128xf32>, vector<64x20x128xf32>, vector<64x20x20xf32> -> vector<64x20x20xf32>
    %eq3A_35 = arith.constant 2 : i32
    %eq3A_36 = vector.broadcast %eq3A_35 : i32 to vector<64x20x20xi32>
    %eq3A_37 = arith.cmpi eq, %get3A_11, %eq3A_36 : vector<64x20x20xi32>
    %ge3A_38 = arith.constant 0.000000e+00 : f32
    %ge3A_39 = vector.broadcast %ge3A_38 : f32 to vector<64x20x20xf32>
    %ge3A_40 = arith.cmpf oge, %dot_general3A_34, %ge3A_39 : vector<64x20x20xf32>
    %mul3A_41 = arith.constant 2.000000e-01 : f32
    %mul3A_42 = vector.broadcast %mul3A_41 : f32 to vector<64x20x20xf32>
    %mul3A_43 = arith.mulf %mul3A_42, %dot_general3A_34 : vector<64x20x20xf32>
    %select_n3A_44 = arith.select %ge3A_40, %dot_general3A_34, %mul3A_43 : vector<64x20x20xi1>, vector<64x20x20xf32>
    %select_n3A_45 = arith.select %eq3A_37, %select_n3A_44, %select_n3A_26 : vector<64x20x20xi1>, vector<64x20x20xf32>
    %get3A_46 = arith.constant 2 : index
    %get3A_47 = arith.constant 0 : index
    %get3A_48 = vector.load %arg7[%get3A_46, %get3A_47] : memref<4x128xf32, #tpu.memory_space<vmem>>, vector<1x128xf32>
    %mul3A_49 = vector.broadcast %get3A_48 : vector<1x128xf32> to vector<1280x128xf32>
    %mul3A_50 = arith.mulf %get3A_1, %mul3A_49 : vector<1280x128xf32>
    %reshape3A_51 = vector.shape_cast %mul3A_50 : vector<1280x128xf32> to vector<64x20x128xf32>
    %dot_general3A_52 = arith.constant dense<0.000000e+00> : vector<64x20x20xf32>
    %dot_general3A_53 = tpu.matmul %reshape3A_51, %reshape3A, %dot_general3A_52 {dimension_numbers = #tpu.dot_dimension_numbers<[2], [2], [1], [1], [0, 0, 0, 1, 1, 1], [0], [0]>, transpose_lhs_hint = false} : vector<64x20x128xf32>, vector<64x20x128xf32>, vector<64x20x20xf32> -> vector<64x20x20xf32>
    %eq3A_54 = arith.constant 3 : i32
    %eq3A_55 = vector.broadcast %eq3A_54 : i32 to vector<64x20x20xi32>
    %eq3A_56 = arith.cmpi eq, %get3A_11, %eq3A_55 : vector<64x20x20xi32>
    %ge3A_57 = arith.constant 0.000000e+00 : f32
    %ge3A_58 = vector.broadcast %ge3A_57 : f32 to vector<64x20x20xf32>
    %ge3A_59 = arith.cmpf oge, %dot_general3A_53, %ge3A_58 : vector<64x20x20xf32>
    %mul3A_60 = arith.constant 2.000000e-01 : f32
    %mul3A_61 = vector.broadcast %mul3A_60 : f32 to vector<64x20x20xf32>
    %mul3A_62 = arith.mulf %mul3A_61, %dot_general3A_53 : vector<64x20x20xf32>
    %select_n3A_63 = arith.select %ge3A_59, %dot_general3A_53, %mul3A_62 : vector<64x20x20xi1>, vector<64x20x20xf32>
    %select_n3A_64 = arith.select %eq3A_56, %select_n3A_63, %select_n3A_45 : vector<64x20x20xi1>, vector<64x20x20xf32>
    %get3A_65 = arith.constant 3 : index
    %get3A_66 = arith.constant 0 : index
    %get3A_67 = vector.load %arg7[%get3A_65, %get3A_66] : memref<4x128xf32, #tpu.memory_space<vmem>>, vector<1x128xf32>
    %mul3A_68 = vector.broadcast %get3A_67 : vector<1x128xf32> to vector<1280x128xf32>
    %mul3A_69 = arith.mulf %get3A_1, %mul3A_68 : vector<1280x128xf32>
    %reshape3A_70 = vector.shape_cast %mul3A_69 : vector<1280x128xf32> to vector<64x20x128xf32>
    %dot_general3A_71 = arith.constant dense<0.000000e+00> : vector<64x20x20xf32>
    %dot_general3A_72 = tpu.matmul %reshape3A_70, %reshape3A, %dot_general3A_71 {dimension_numbers = #tpu.dot_dimension_numbers<[2], [2], [1], [1], [0, 0, 0, 1, 1, 1], [0], [0]>, transpose_lhs_hint = false} : vector<64x20x128xf32>, vector<64x20x128xf32>, vector<64x20x20xf32> -> vector<64x20x20xf32>
    %eq3A_73 = arith.constant 4 : i32
    %eq3A_74 = vector.broadcast %eq3A_73 : i32 to vector<64x20x20xi32>
    %eq3A_75 = arith.cmpi eq, %get3A_11, %eq3A_74 : vector<64x20x20xi32>
    %ge3A_76 = arith.constant 0.000000e+00 : f32
    %ge3A_77 = vector.broadcast %ge3A_76 : f32 to vector<64x20x20xf32>
    %ge3A_78 = arith.cmpf oge, %dot_general3A_72, %ge3A_77 : vector<64x20x20xf32>
    %mul3A_79 = arith.constant 2.000000e-01 : f32
    %mul3A_80 = vector.broadcast %mul3A_79 : f32 to vector<64x20x20xf32>
    %mul3A_81 = arith.mulf %mul3A_80, %dot_general3A_72 : vector<64x20x20xf32>
    %select_n3A_82 = arith.select %ge3A_78, %dot_general3A_72, %mul3A_81 : vector<64x20x20xi1>, vector<64x20x20xf32>
    %select_n3A_83 = arith.select %eq3A_75, %select_n3A_82, %select_n3A_64 : vector<64x20x20xi1>, vector<64x20x20xf32>
    %reduce_max3A = arith.constant dense<0xFF800000> : vector<64x20xf32>
    %reduce_max3A_84 = vector.multi_reduction <maximumf>, %select_n3A_83, %reduce_max3A [2] : vector<64x20x20xf32> to vector<64x20xf32>
    %broadcast_in_dim3A_85 = vector.shape_cast %reduce_max3A_84 : vector<64x20xf32> to vector<64x20x1xf32>
    %sub3A = vector.broadcast %broadcast_in_dim3A_85 : vector<64x20x1xf32> to vector<64x20x20xf32>
    %sub3A_86 = arith.subf %select_n3A_83, %sub3A : vector<64x20x20xf32>
    %exp3A = math.exp %sub3A_86 : vector<64x20x20xf32>
    %reduce_sum3A = arith.constant dense<0.000000e+00> : vector<64x20xf32>
    %reduce_sum3A_87 = vector.multi_reduction <add>, %exp3A, %reduce_sum3A [2] : vector<64x20x20xf32> to vector<64x20xf32>
    %broadcast_in_dim3A_88 = vector.shape_cast %reduce_sum3A_87 : vector<64x20xf32> to vector<64x20x1xf32>
    %div3A = arith.constant 1.000000e+00 : f32
    %div3A_89 = vector.broadcast %div3A : f32 to vector<64x20x1xf32>
    %div3A_90 = arith.divf %div3A_89, %broadcast_in_dim3A_88 : vector<64x20x1xf32>
    %mul3A_91 = vector.broadcast %div3A_90 : vector<64x20x1xf32> to vector<64x20x20xf32>
    %mul3A_92 = arith.mulf %exp3A, %mul3A_91 : vector<64x20x20xf32>
    %dot_general3A_93 = arith.constant dense<0.000000e+00> : vector<64x20x128xf32>
    %dot_general3A_94 = tpu.matmul %mul3A_92, %reshape3A, %dot_general3A_93 {dimension_numbers = #tpu.dot_dimension_numbers<[2], [1], [1], [2], [0, 0, 0, 1, 1, 2], [0], [0]>, transpose_lhs_hint = false} : vector<64x20x20xf32>, vector<64x20x128xf32>, vector<64x20x128xf32> -> vector<64x20x128xf32>
    %slice3A = vector.extract_strided_slice %dot_general3A_94 {offsets = [0, 0, 0], sizes = [64, 20, 100], strides = [1, 1, 1]} : vector<64x20x128xf32> to vector<64x20x100xf32>
    %swap3A = arith.constant 0 : index
    %swap3A_95 = arith.constant 0 : index
    %swap3A_96 = arith.constant 0 : index
    %swap3A_97 = vector.load %arg17[%swap3A, %swap3A_95, %swap3A_96] : memref<64x20x100xf32, #tpu.memory_space<vmem>>, vector<64x20x100xf32>
    tpu.vector_store %arg17[%swap3A, %swap3A_95, %swap3A_96], %slice3A {strides = array<i32>} : memref<64x20x100xf32, #tpu.memory_space<vmem>>, vector<64x20x100xf32>,
    %get3A_98 = arith.constant 0 : index
    %get3A_99 = arith.constant 0 : index
    %get3A_100 = arith.constant 0 : index
    %get3A_101 = vector.load %arg5[%get3A_98, %get3A_99, %get3A_100] : memref<64x20x20xi32, #tpu.memory_space<vmem>>, vector<64x20x20xi32>
    %reshape3A_102 = vector.shape_cast %get3A_7 : vector<1280x128xf32> to vector<64x20x128xf32>
    %broadcast_in_dim3A_103 = arith.constant -9.000000e+15 : f32
    %broadcast_in_dim3A_104 = vector.broadcast %broadcast_in_dim3A_103 : f32 to vector<64x20x20xf32>
    %get3A_105 = arith.constant 0 : index
    %get3A_106 = arith.constant 0 : index
    %get3A_107 = vector.load %arg8[%get3A_105, %get3A_106] : memref<4x128xf32, #tpu.memory_space<vmem>>, vector<1x128xf32>
    %mul3A_108 = vector.broadcast %get3A_107 : vector<1x128xf32> to vector<1280x128xf32>
    %mul3A_109 = arith.mulf %get3A_7, %mul3A_108 : vector<1280x128xf32>
    %reshape3A_110 = vector.shape_cast %mul3A_109 : vector<1280x128xf32> to vector<64x20x128xf32>
    %dot_general3A_111 = arith.constant dense<0.000000e+00> : vector<64x20x20xf32>
    %dot_general3A_112 = tpu.matmul %reshape3A_110, %reshape3A_102, %dot_general3A_111 {dimension_numbers = #tpu.dot_dimension_numbers<[2], [2], [1], [1], [0, 0, 0, 1, 1, 1], [0], [0]>, transpose_lhs_hint = false} : vector<64x20x128xf32>, vector<64x20x128xf32>, vector<64x20x20xf32> -> vector<64x20x20xf32>
    %eq3A_113 = arith.constant 1 : i32
    %eq3A_114 = vector.broadcast %eq3A_113 : i32 to vector<64x20x20xi32>
    %eq3A_115 = arith.cmpi eq, %get3A_101, %eq3A_114 : vector<64x20x20xi32>
    %ge3A_116 = arith.constant 0.000000e+00 : f32
    %ge3A_117 = vector.broadcast %ge3A_116 : f32 to vector<64x20x20xf32>
    %ge3A_118 = arith.cmpf oge, %dot_general3A_112, %ge3A_117 : vector<64x20x20xf32>
    %mul3A_119 = arith.constant 2.000000e-01 : f32
    %mul3A_120 = vector.broadcast %mul3A_119 : f32 to vector<64x20x20xf32>
    %mul3A_121 = arith.mulf %mul3A_120, %dot_general3A_112 : vector<64x20x20xf32>
    %select_n3A_122 = arith.select %ge3A_118, %dot_general3A_112, %mul3A_121 : vector<64x20x20xi1>, vector<64x20x20xf32>
    %select_n3A_123 = arith.select %eq3A_115, %select_n3A_122, %broadcast_in_dim3A_104 : vector<64x20x20xi1>, vector<64x20x20xf32>
    %get3A_124 = arith.constant 1 : index
    %get3A_125 = arith.constant 0 : index
    %get3A_126 = vector.load %arg8[%get3A_124, %get3A_125] : memref<4x128xf32, #tpu.memory_space<vmem>>, vector<1x128xf32>
    %mul3A_127 = vector.broadcast %get3A_126 : vector<1x128xf32> to vector<1280x128xf32>
    %mul3A_128 = arith.mulf %get3A_7, %mul3A_127 : vector<1280x128xf32>
    %reshape3A_129 = vector.shape_cast %mul3A_128 : vector<1280x128xf32> to vector<64x20x128xf32>
    %dot_general3A_130 = arith.constant dense<0.000000e+00> : vector<64x20x20xf32>
    %dot_general3A_131 = tpu.matmul %reshape3A_129, %reshape3A_102, %dot_general3A_130 {dimension_numbers = #tpu.dot_dimension_numbers<[2], [2], [1], [1], [0, 0, 0, 1, 1, 1], [0], [0]>, transpose_lhs_hint = false} : vector<64x20x128xf32>, vector<64x20x128xf32>, vector<64x20x20xf32> -> vector<64x20x20xf32>
    %eq3A_132 = arith.constant 2 : i32
    %eq3A_133 = vector.broadcast %eq3A_132 : i32 to vector<64x20x20xi32>
    %eq3A_134 = arith.cmpi eq, %get3A_101, %eq3A_133 : vector<64x20x20xi32>
    %ge3A_135 = arith.constant 0.000000e+00 : f32
    %ge3A_136 = vector.broadcast %ge3A_135 : f32 to vector<64x20x20xf32>
    %ge3A_137 = arith.cmpf oge, %dot_general3A_131, %ge3A_136 : vector<64x20x20xf32>
    %mul3A_138 = arith.constant 2.000000e-01 : f32
    %mul3A_139 = vector.broadcast %mul3A_138 : f32 to vector<64x20x20xf32>
    %mul3A_140 = arith.mulf %mul3A_139, %dot_general3A_131 : vector<64x20x20xf32>
    %select_n3A_141 = arith.select %ge3A_137, %dot_general3A_131, %mul3A_140 : vector<64x20x20xi1>, vector<64x20x20xf32>
    %select_n3A_142 = arith.select %eq3A_134, %select_n3A_141, %select_n3A_123 : vector<64x20x20xi1>, vector<64x20x20xf32>
    %get3A_143 = arith.constant 2 : index
    %get3A_144 = arith.constant 0 : index
    %get3A_145 = vector.load %arg8[%get3A_143, %get3A_144] : memref<4x128xf32, #tpu.memory_space<vmem>>, vector<1x128xf32>
    %mul3A_146 = vector.broadcast %get3A_145 : vector<1x128xf32> to vector<1280x128xf32>
    %mul3A_147 = arith.mulf %get3A_7, %mul3A_146 : vector<1280x128xf32>
    %reshape3A_148 = vector.shape_cast %mul3A_147 : vector<1280x128xf32> to vector<64x20x128xf32>
    %dot_general3A_149 = arith.constant dense<0.000000e+00> : vector<64x20x20xf32>
    %dot_general3A_150 = tpu.matmul %reshape3A_148, %reshape3A_102, %dot_general3A_149 {dimension_numbers = #tpu.dot_dimension_numbers<[2], [2], [1], [1], [0, 0, 0, 1, 1, 1], [0], [0]>, transpose_lhs_hint = false} : vector<64x20x128xf32>, vector<64x20x128xf32>, vector<64x20x20xf32> -> vector<64x20x20xf32>
    %eq3A_151 = arith.constant 3 : i32
    %eq3A_152 = vector.broadcast %eq3A_151 : i32 to vector<64x20x20xi32>
    %eq3A_153 = arith.cmpi eq, %get3A_101, %eq3A_152 : vector<64x20x20xi32>
    %ge3A_154 = arith.constant 0.000000e+00 : f32
    %ge3A_155 = vector.broadcast %ge3A_154 : f32 to vector<64x20x20xf32>
    %ge3A_156 = arith.cmpf oge, %dot_general3A_150, %ge3A_155 : vector<64x20x20xf32>
    %mul3A_157 = arith.constant 2.000000e-01 : f32
    %mul3A_158 = vector.broadcast %mul3A_157 : f32 to vector<64x20x20xf32>
    %mul3A_159 = arith.mulf %mul3A_158, %dot_general3A_150 : vector<64x20x20xf32>
    %select_n3A_160 = arith.select %ge3A_156, %dot_general3A_150, %mul3A_159 : vector<64x20x20xi1>, vector<64x20x20xf32>
    %select_n3A_161 = arith.select %eq3A_153, %select_n3A_160, %select_n3A_142 : vector<64x20x20xi1>, vector<64x20x20xf32>
    %get3A_162 = arith.constant 3 : index
    %get3A_163 = arith.constant 0 : index
    %get3A_164 = vector.load %arg8[%get3A_162, %get3A_163] : memref<4x128xf32, #tpu.memory_space<vmem>>, vector<1x128xf32>
    %mul3A_165 = vector.broadcast %get3A_164 : vector<1x128xf32> to vector<1280x128xf32>
    %mul3A_166 = arith.mulf %get3A_7, %mul3A_165 : vector<1280x128xf32>
    %reshape3A_167 = vector.shape_cast %mul3A_166 : vector<1280x128xf32> to vector<64x20x128xf32>
    %dot_general3A_168 = arith.constant dense<0.000000e+00> : vector<64x20x20xf32>
    %dot_general3A_169 = tpu.matmul %reshape3A_167, %reshape3A_102, %dot_general3A_168 {dimension_numbers = #tpu.dot_dimension_numbers<[2], [2], [1], [1], [0, 0, 0, 1, 1, 1], [0], [0]>, transpose_lhs_hint = false} : vector<64x20x128xf32>, vector<64x20x128xf32>, vector<64x20x20xf32> -> vector<64x20x20xf32>
    %eq3A_170 = arith.constant 4 : i32
    %eq3A_171 = vector.broadcast %eq3A_170 : i32 to vector<64x20x20xi32>
    %eq3A_172 = arith.cmpi eq, %get3A_101, %eq3A_171 : vector<64x20x20xi32>
    %ge3A_173 = arith.constant 0.000000e+00 : f32
    %ge3A_174 = vector.broadcast %ge3A_173 : f32 to vector<64x20x20xf32>
    %ge3A_175 = arith.cmpf oge, %dot_general3A_169, %ge3A_174 : vector<64x20x20xf32>
    %mul3A_176 = arith.constant 2.000000e-01 : f32
    %mul3A_177 = vector.broadcast %mul3A_176 : f32 to vector<64x20x20xf32>
    %mul3A_178 = arith.mulf %mul3A_177, %dot_general3A_169 : vector<64x20x20xf32>
    %select_n3A_179 = arith.select %ge3A_175, %dot_general3A_169, %mul3A_178 : vector<64x20x20xi1>, vector<64x20x20xf32>
    %select_n3A_180 = arith.select %eq3A_172, %select_n3A_179, %select_n3A_161 : vector<64x20x20xi1>, vector<64x20x20xf32>
    %reduce_max3A_181 = arith.constant dense<0xFF800000> : vector<64x20xf32>
    %reduce_max3A_182 = vector.multi_reduction <maximumf>, %select_n3A_180, %reduce_max3A_181 [2] : vector<64x20x20xf32> to vector<64x20xf32>
    %broadcast_in_dim3A_183 = vector.shape_cast %reduce_max3A_182 : vector<64x20xf32> to vector<64x20x1xf32>
    %sub3A_184 = vector.broadcast %broadcast_in_dim3A_183 : vector<64x20x1xf32> to vector<64x20x20xf32>
    %sub3A_185 = arith.subf %select_n3A_180, %sub3A_184 : vector<64x20x20xf32>
    %exp3A_186 = math.exp %sub3A_185 : vector<64x20x20xf32>
    %reduce_sum3A_187 = arith.constant dense<0.000000e+00> : vector<64x20xf32>
    %reduce_sum3A_188 = vector.multi_reduction <add>, %exp3A_186, %reduce_sum3A_187 [2] : vector<64x20x20xf32> to vector<64x20xf32>
    %broadcast_in_dim3A_189 = vector.shape_cast %reduce_sum3A_188 : vector<64x20xf32> to vector<64x20x1xf32>
    %div3A_190 = arith.constant 1.000000e+00 : f32
    %div3A_191 = vector.broadcast %div3A_190 : f32 to vector<64x20x1xf32>
    %div3A_192 = arith.divf %div3A_191, %broadcast_in_dim3A_189 : vector<64x20x1xf32>
    %mul3A_193 = vector.broadcast %div3A_192 : vector<64x20x1xf32> to vector<64x20x20xf32>
    %mul3A_194 = arith.mulf %exp3A_186, %mul3A_193 : vector<64x20x20xf32>
    %dot_general3A_195 = arith.constant dense<0.000000e+00> : vector<64x20x128xf32>
    %dot_general3A_196 = tpu.matmul %mul3A_194, %reshape3A_102, %dot_general3A_195 {dimension_numbers = #tpu.dot_dimension_numbers<[2], [1], [1], [2], [0, 0, 0, 1, 1, 2], [0], [0]>, transpose_lhs_hint = false} : vector<64x20x20xf32>, vector<64x20x128xf32>, vector<64x20x128xf32> -> vector<64x20x128xf32>
    %slice3A_197 = vector.extract_strided_slice %dot_general3A_196 {offsets = [0, 0, 0], sizes = [64, 20, 100], strides = [1, 1, 1]} : vector<64x20x128xf32> to vector<64x20x100xf32>
    %swap3A_198 = arith.constant 0 : index
    %swap3A_199 = arith.constant 0 : index
    %swap3A_200 = arith.constant 0 : index
    %swap3A_201 = vector.load %arg19[%swap3A_198, %swap3A_199, %swap3A_200] : memref<64x20x100xf32, #tpu.memory_space<vmem>>, vector<64x20x100xf32>
    tpu.vector_store %arg19[%swap3A_198, %swap3A_199, %swap3A_200], %slice3A_197 {strides = array<i32>} : memref<64x20x100xf32, #tpu.memory_space<vmem>>, vector<64x20x100xf32>,
    %get3A_202 = arith.constant 0 : index
    %get3A_203 = arith.constant 0 : index
    %get3A_204 = arith.constant 0 : index
    %get3A_205 = vector.load %arg6[%get3A_202, %get3A_203, %get3A_204] : memref<64x20x40xf32, #tpu.memory_space<vmem>>, vector<64x20x40xf32>
    %get3A_206 = arith.constant 0 : index
    %get3A_207 = arith.constant 0 : index
    %get3A_208 = vector.load %arg9[%get3A_206, %get3A_207] : memref<128x256xf32, #tpu.memory_space<vmem>>, vector<128x256xf32>
    %dot_general3A_209 = arith.constant dense<0.000000e+00> : vector<1280x256xf32>
    %dot_general3A_210 = tpu.matmul %get3A_4, %get3A_208, %dot_general3A_209 {dimension_numbers = #tpu.dot_dimension_numbers<[1], [0], [0], [1], [0, 0, 1, 1], [], []>, transpose_lhs_hint = false} : vector<1280x128xf32>, vector<128x256xf32>, vector<1280x256xf32> -> vector<1280x256xf32>
    %get3A_211 = arith.constant 0 : index
    %get3A_212 = arith.constant 0 : index
    %get3A_213 = vector.load %arg13[%get3A_211, %get3A_212] : memref<1x256xf32, #tpu.memory_space<vmem>>, vector<1x256xf32>
    %add3A = vector.broadcast %get3A_213 : vector<1x256xf32> to vector<1280x256xf32>
    %add3A_214 = arith.addf %dot_general3A_210, %add3A : vector<1280x256xf32>
    %slice3A_215 = vector.extract_strided_slice %add3A_214 {offsets = [0, 0], sizes = [1280, 128], strides = [1, 1]} : vector<1280x256xf32> to vector<1280x128xf32>
    %reshape3A_216 = vector.shape_cast %slice3A_215 : vector<1280x128xf32> to vector<64x20x128xf32>
    %slice3A_217 = vector.extract_strided_slice %add3A_214 {offsets = [0, 128], sizes = [1280, 128], strides = [1, 1]} : vector<1280x256xf32> to vector<1280x128xf32>
    %reshape3A_218 = vector.shape_cast %slice3A_217 : vector<1280x128xf32> to vector<64x20x128xf32>
    %slice3A_219 = vector.extract_strided_slice %get3A_205 {offsets = [0, 0, 0], sizes = [64, 20, 20], strides = [1, 1, 1]} : vector<64x20x40xf32> to vector<64x20x20xf32>
    %dot_general3A_220 = arith.constant dense<0.000000e+00> : vector<64x20x128xf32>
    %dot_general3A_221 = tpu.matmul %slice3A_219, %reshape3A_216, %dot_general3A_220 {dimension_numbers = #tpu.dot_dimension_numbers<[2], [1], [1], [2], [0, 0, 0, 1, 1, 2], [0], [0]>, transpose_lhs_hint = false} : vector<64x20x20xf32>, vector<64x20x128xf32>, vector<64x20x128xf32> -> vector<64x20x128xf32>
    %reshape3A_222 = vector.shape_cast %dot_general3A_221 : vector<64x20x128xf32> to vector<1280x128xf32>
    %get3A_223 = arith.constant 0 : index
    %get3A_224 = arith.constant 0 : index
    %get3A_225 = vector.load %arg14[%get3A_223, %get3A_224] : memref<1x256xf32, #tpu.memory_space<vmem>>, vector<1x128xf32>
    %add3A_226 = vector.broadcast %get3A_225 : vector<1x128xf32> to vector<1280x128xf32>
    %add3A_227 = arith.addf %reshape3A_222, %add3A_226 : vector<1280x128xf32>
    %slice3A_228 = vector.extract_strided_slice %get3A_205 {offsets = [0, 0, 20], sizes = [64, 20, 20], strides = [1, 1, 1]} : vector<64x20x40xf32> to vector<64x20x20xf32>
    %dot_general3A_229 = arith.constant dense<0.000000e+00> : vector<64x20x128xf32>
    %dot_general3A_230 = tpu.matmul %slice3A_228, %reshape3A_218, %dot_general3A_229 {dimension_numbers = #tpu.dot_dimension_numbers<[2], [1], [1], [2], [0, 0, 0, 1, 1, 2], [0], [0]>, transpose_lhs_hint = false} : vector<64x20x20xf32>, vector<64x20x128xf32>, vector<64x20x128xf32> -> vector<64x20x128xf32>
    %reshape3A_231 = vector.shape_cast %dot_general3A_230 : vector<64x20x128xf32> to vector<1280x128xf32>
    %get3A_232 = arith.constant 0 : index
    %get3A_233 = arith.constant 128 : index
    %get3A_234 = vector.load %arg14[%get3A_232, %get3A_233] : memref<1x256xf32, #tpu.memory_space<vmem>>, vector<1x128xf32>
    %add3A_235 = vector.broadcast %get3A_234 : vector<1x128xf32> to vector<1280x128xf32>
    %add3A_236 = arith.addf %reshape3A_231, %add3A_235 : vector<1280x128xf32>
    %get3A_237 = arith.constant 0 : index
    %get3A_238 = arith.constant 0 : index
    %get3A_239 = vector.load %arg10[%get3A_237, %get3A_238] : memref<128x384xf32, #tpu.memory_space<vmem>>, vector<128x384xf32>
    %dot_general3A_240 = arith.constant dense<0.000000e+00> : vector<1280x384xf32>
    %dot_general3A_241 = tpu.matmul %add3A_227, %get3A_239, %dot_general3A_240 {dimension_numbers = #tpu.dot_dimension_numbers<[1], [0], [0], [1], [0, 0, 1, 1], [], []>, transpose_lhs_hint = false} : vector<1280x128xf32>, vector<128x384xf32>, vector<1280x384xf32> -> vector<1280x384xf32>
    %get3A_242 = arith.constant 0 : index
    %get3A_243 = arith.constant 0 : index
    %get3A_244 = vector.load %arg11[%get3A_242, %get3A_243] : memref<128x384xf32, #tpu.memory_space<vmem>>, vector<128x384xf32>
    %dot_general3A_245 = arith.constant dense<0.000000e+00> : vector<1280x384xf32>
    %dot_general3A_246 = tpu.matmul %add3A_236, %get3A_244, %dot_general3A_245 {dimension_numbers = #tpu.dot_dimension_numbers<[1], [0], [0], [1], [0, 0, 1, 1], [], []>, transpose_lhs_hint = false} : vector<1280x128xf32>, vector<128x384xf32>, vector<1280x384xf32> -> vector<1280x384xf32>
    %add3A_247 = arith.addf %dot_general3A_241, %dot_general3A_246 : vector<1280x384xf32>
    %get3A_248 = arith.constant 0 : index
    %get3A_249 = arith.constant 0 : index
    %get3A_250 = vector.load %arg15[%get3A_248, %get3A_249] : memref<1x384xf32, #tpu.memory_space<vmem>>, vector<1x384xf32>
    %add3A_251 = vector.broadcast %get3A_250 : vector<1x384xf32> to vector<1280x384xf32>
    %add3A_252 = arith.addf %add3A_247, %add3A_251 : vector<1280x384xf32>
    %get3A_253 = arith.constant 0 : index
    %get3A_254 = arith.constant 0 : index
    %get3A_255 = vector.load %arg12[%get3A_253, %get3A_254] : memref<128x384xf32, #tpu.memory_space<vmem>>, vector<128x384xf32>
    %dot_general3A_256 = arith.constant dense<0.000000e+00> : vector<1280x384xf32>
    %dot_general3A_257 = tpu.matmul %get3A_4, %get3A_255, %dot_general3A_256 {dimension_numbers = #tpu.dot_dimension_numbers<[1], [0], [0], [1], [0, 0, 1, 1], [], []>, transpose_lhs_hint = false} : vector<1280x128xf32>, vector<128x384xf32>, vector<1280x384xf32> -> vector<1280x384xf32>
    %get3A_258 = arith.constant 0 : index
    %get3A_259 = arith.constant 0 : index
    %get3A_260 = vector.load %arg16[%get3A_258, %get3A_259] : memref<1x384xf32, #tpu.memory_space<vmem>>, vector<1x384xf32>
    %add3A_261 = vector.broadcast %get3A_260 : vector<1x384xf32> to vector<1280x384xf32>
    %add3A_262 = arith.addf %dot_general3A_257, %add3A_261 : vector<1280x384xf32>
    %slice3A_263 = vector.extract_strided_slice %add3A_252 {offsets = [0, 0], sizes = [1280, 100], strides = [1, 1]} : vector<1280x384xf32> to vector<1280x100xf32>
    %slice3A_264 = vector.extract_strided_slice %add3A_262 {offsets = [0, 0], sizes = [1280, 100], strides = [1, 1]} : vector<1280x384xf32> to vector<1280x100xf32>
    %add3A_265 = arith.addf %slice3A_263, %slice3A_264 : vector<1280x100xf32>
    %logistic3A = arith.negf %add3A_265 : vector<1280x100xf32>
    %logistic3A_266 = math.exp %logistic3A : vector<1280x100xf32>
    %logistic3A_267 = arith.constant 1.000000e+00 : f32
    %logistic3A_268 = vector.broadcast %logistic3A_267 : f32 to vector<1280x100xf32>
    %logistic3A_269 = arith.addf %logistic3A_268, %logistic3A_266 : vector<1280x100xf32>
    %logistic3A_270 = arith.divf %logistic3A_268, %logistic3A_269 : vector<1280x100xf32>
    %slice3A_271 = vector.extract_strided_slice %add3A_252 {offsets = [0, 128], sizes = [1280, 100], strides = [1, 1]} : vector<1280x384xf32> to vector<1280x100xf32>
    %slice3A_272 = vector.extract_strided_slice %add3A_262 {offsets = [0, 128], sizes = [1280, 100], strides = [1, 1]} : vector<1280x384xf32> to vector<1280x100xf32>
    %add3A_273 = arith.addf %slice3A_271, %slice3A_272 : vector<1280x100xf32>
    %logistic3A_274 = arith.negf %add3A_273 : vector<1280x100xf32>
    %logistic3A_275 = math.exp %logistic3A_274 : vector<1280x100xf32>
    %logistic3A_276 = arith.constant 1.000000e+00 : f32
    %logistic3A_277 = vector.broadcast %logistic3A_276 : f32 to vector<1280x100xf32>
    %logistic3A_278 = arith.addf %logistic3A_277, %logistic3A_275 : vector<1280x100xf32>
    %logistic3A_279 = arith.divf %logistic3A_277, %logistic3A_278 : vector<1280x100xf32>
    %slice3A_280 = vector.extract_strided_slice %add3A_252 {offsets = [0, 256], sizes = [1280, 100], strides = [1, 1]} : vector<1280x384xf32> to vector<1280x100xf32>
    %slice3A_281 = vector.extract_strided_slice %add3A_262 {offsets = [0, 256], sizes = [1280, 100], strides = [1, 1]} : vector<1280x384xf32> to vector<1280x100xf32>
    %mul3A_282 = arith.mulf %logistic3A_270, %slice3A_281 : vector<1280x100xf32>
    %add3A_283 = arith.addf %slice3A_280, %mul3A_282 : vector<1280x100xf32>
    %tanh3A = math.tanh %add3A_283 : vector<1280x100xf32>
    %slice3A_284 = vector.extract_strided_slice %get3A_4 {offsets = [0, 0], sizes = [1280, 100], strides = [1, 1]} : vector<1280x128xf32> to vector<1280x100xf32>
    %sub3A_285 = arith.subf %tanh3A, %slice3A_284 : vector<1280x100xf32>
    %mul3A_286 = arith.mulf %logistic3A_279, %sub3A_285 : vector<1280x100xf32>
    %add3A_287 = arith.addf %tanh3A, %mul3A_286 : vector<1280x100xf32>
    %reshape3A_288 = vector.shape_cast %add3A_287 : vector<1280x100xf32> to vector<64x20x100xf32>
    %swap3A_289 = arith.constant 0 : index
    %swap3A_290 = arith.constant 0 : index
    %swap3A_291 = arith.constant 0 : index
    %swap3A_292 = vector.load %arg18[%swap3A_289, %swap3A_290, %swap3A_291] : memref<64x20x100xf32, #tpu.memory_space<vmem>>, vector<64x20x100xf32>
    tpu.vector_store %arg18[%swap3A_289, %swap3A_290, %swap3A_291], %reshape3A_288 {strides = array<i32>} : memref<64x20x100xf32, #tpu.memory_space<vmem>>, vector<64x20x100xf32>,
    return
  }
  func.func @transform_0(%arg0: i32) -> (i32, i32) {
    %c0_i32 = arith.constant 0 : i32
    %c0_i32_0 = arith.constant 0 : i32
    return %arg0, %c0_i32 : i32, i32
  }
  func.func @transform_1(%arg0: i32) -> (i32, i32) {
    %add3A = arith.constant 16 : i32
    %add3A_0 = arith.addi %arg0, %add3A : i32
    %c0_i32 = arith.constant 0 : i32
    %c0_i32_1 = arith.constant 0 : i32
    return %add3A_0, %c0_i32 : i32, i32
  }
  func.func @transform_2(%arg0: i32) -> (i32, i32) {
    %add3A = arith.constant 32 : i32
    %add3A_0 = arith.addi %arg0, %add3A : i32
    %c0_i32 = arith.constant 0 : i32
    %c0_i32_1 = arith.constant 0 : i32
    return %add3A_0, %c0_i32 : i32, i32
  }
  func.func @transform_3(%arg0: i32) -> (i32, i32, i32) {
    %c0_i32 = arith.constant 0 : i32
    %c0_i32_0 = arith.constant 0 : i32
    %c0_i32_1 = arith.constant 0 : i32
    return %arg0, %c0_i32, %c0_i32_0 : i32, i32, i32
  }
  func.func @transform_4(%arg0: i32) -> (i32, i32, i32) {
    %c0_i32 = arith.constant 0 : i32
    %c0_i32_0 = arith.constant 0 : i32
    %c0_i32_1 = arith.constant 0 : i32
    return %arg0, %c0_i32, %c0_i32_0 : i32, i32, i32
  }
  func.func @transform_5(%arg0: i32) -> (i32, i32, i32) {
    %c0_i32 = arith.constant 0 : i32
    %c0_i32_0 = arith.constant 0 : i32
    %c0_i32_1 = arith.constant 0 : i32
    return %arg0, %c0_i32, %c0_i32_0 : i32, i32, i32
  }
  func.func @transform_6(%arg0: i32) -> (i32, i32) {
    %c0_i32 = arith.constant 0 : i32
    %c0_i32_0 = arith.constant 0 : i32
    %c0_i32_1 = arith.constant 0 : i32
    return %c0_i32, %c0_i32_0 : i32, i32
  }
  func.func @transform_7(%arg0: i32) -> (i32, i32) {
    %c0_i32 = arith.constant 0 : i32
    %c0_i32_0 = arith.constant 0 : i32
    %c0_i32_1 = arith.constant 0 : i32
    return %c0_i32, %c0_i32_0 : i32, i32
  }
  func.func @transform_8(%arg0: i32) -> (i32, i32) {
    %c0_i32 = arith.constant 0 : i32
    %c0_i32_0 = arith.constant 0 : i32
    %c0_i32_1 = arith.constant 0 : i32
    return %c0_i32, %c0_i32_0 : i32, i32
  }
  func.func @transform_9(%arg0: i32) -> (i32, i32) {
    %c0_i32 = arith.constant 0 : i32
    %c0_i32_0 = arith.constant 0 : i32
    %c0_i32_1 = arith.constant 0 : i32
    return %c0_i32, %c0_i32_0 : i32, i32
  }
  func.func @transform_10(%arg0: i32) -> (i32, i32) {
    %c0_i32 = arith.constant 0 : i32
    %c0_i32_0 = arith.constant 0 : i32
    %c0_i32_1 = arith.constant 0 : i32
    return %c0_i32, %c0_i32_0 : i32, i32
  }
  func.func @transform_11(%arg0: i32) -> (i32, i32) {
    %c0_i32 = arith.constant 0 : i32
    %c0_i32_0 = arith.constant 0 : i32
    %c0_i32_1 = arith.constant 0 : i32
    return %c0_i32, %c0_i32_0 : i32, i32
  }
  func.func @transform_12(%arg0: i32) -> (i32, i32) {
    %c0_i32 = arith.constant 0 : i32
    %c0_i32_0 = arith.constant 0 : i32
    %c0_i32_1 = arith.constant 0 : i32
    return %c0_i32, %c0_i32_0 : i32, i32
  }
  func.func @transform_13(%arg0: i32) -> (i32, i32) {
    %c0_i32 = arith.constant 0 : i32
    %c0_i32_0 = arith.constant 0 : i32
    %c0_i32_1 = arith.constant 0 : i32
    return %c0_i32, %c0_i32_0 : i32, i32
  }
  func.func @transform_14(%arg0: i32) -> (i32, i32) {
    %c0_i32 = arith.constant 0 : i32
    %c0_i32_0 = arith.constant 0 : i32
    %c0_i32_1 = arith.constant 0 : i32
    return %c0_i32, %c0_i32_0 : i32, i32
  }
  func.func @transform_15(%arg0: i32) -> (i32, i32) {
    %c0_i32 = arith.constant 0 : i32
    %c0_i32_0 = arith.constant 0 : i32
    %c0_i32_1 = arith.constant 0 : i32
    return %c0_i32, %c0_i32_0 : i32, i32
  }
  func.func @transform_16(%arg0: i32) -> (i32, i32, i32) {
    %c0_i32 = arith.constant 0 : i32
    %c0_i32_0 = arith.constant 0 : i32
    %c0_i32_1 = arith.constant 0 : i32
    return %arg0, %c0_i32, %c0_i32_0 : i32, i32, i32
  }
  func.func @transform_17(%arg0: i32) -> (i32, i32, i32) {
    %c0_i32 = arith.constant 0 : i32
    %c0_i32_0 = arith.constant 0 : i32
    %c0_i32_1 = arith.constant 0 : i32
    return %arg0, %c0_i32, %c0_i32_0 : i32, i32, i32
  }
  func.func @transform_18(%arg0: i32) -> (i32, i32, i32) {
    %c0_i32 = arith.constant 0 : i32
    %c0_i32_0 = arith.constant 0 : i32
    %c0_i32_1 = arith.constant 0 : i32
    return %arg0, %c0_i32, %c0_i32_0 : i32, i32, i32
  }
}

</mosaic_0001>

<sc_bundles>
// kernel: sc_gather3.3.cloned.1.call-start
scs
__scs_entry_jumppad:
0x0: {  	(pc) =	sbr.rel $0x88, $3  }
0x1: {  	(tag) =	ssettag $0x0;
	lr =	simm.s32 $0x1  }
0x2: {  	[smem:$0x3F8E] =	sst lr;
	_ =	strace $0xD0000000  }
0x3: {  	_ = 	snop  }
0x4: {  	_ = 	snop  }
0x5: {  	_ = 	snop  }
0x6: {  	_ = 	snop  }
0x7: {  	_ = 	snop  }
__scs_overlays_trampoline_lowered:
0x8: {  	[smem:$0x3F9D] =	sst s0  }
0x9: {  	[smem:$0x3F9E] =	sst s1  }
0xa: {  	[smem:$0x3F9F] =	sst s2  }
0xb: {  	[smem:$0x3FA0] =	sst s3  }
0xc: {  	[smem:$0x3FA1] =	sst s4  }
0xd: {  	[smem:$0x3FA2] =	sst s5  }
0xe: {  	[smem:$0x3FA3] =	sst s6  }
0xf: {  	[smem:$0x3FA4] =	sst s7  }
0x10: {  	[smem:$0x3FA5] =	sst s8  }
0x11: {  	[smem:$0x3FA6] =	sst s9;
	s0 =	simm.s32 @!p0 $0x0  }
0x12: {  	s1 =	sld [smem:$0x3F8C];
	s0 =	simm.s32 @p0 $0x1  }
0x13: {  	[smem:$0x3FA7] =	sst s0;
	s0 =	simm.s32 @!p1 $0x0  }
0x14: {  	s2 =	sld [smem:$0x3F8B];
	s0 =	simm.s32 @p1 $0x1  }
0x15: {  	[smem:$0x3FA8] =	sst s0;
	s0 =	simm.s32 @!p2 $0x0  }
0x16: {  	s3 =	sld [smem:$0x3FDB];
	s0 =	simm.s32 @p2 $0x1  }
0x17: {  	s4 =	simm.s32 $0x1BF5;
	[smem:$0x3FAA] =	sst s0  }
0x18: {  	s0 =	sld [smem:$0x3F8D];
	_ =	swait.ge [sflag:s4], $0x0  }
0x19: {  	s7 =	sld [smem:$0x3F8E]  }
0x1a: {  	s8 =	sadd.s32 $0xFFFFE003, lr  }
0x1b: {  	s9 =	sadd.s32 $0xFFFFFEF7, lr;
	s5 =	simm.s32 $0xFFFFFFFF;
	p2 =	slt.u32 s8, $0xFFFFF086  }
0x1c: {  	p1 =	slt.u32 s9, $0xF7A;
	s5 =	simm.s32 @!p2 $0x0  }
0x1d: {  	s5 =	simm.s32 @p1 $0x1;
	p0 =	seq.s32 s7, s2  }
0x1e: {  	s7 =	smul.u32 @!p0 $0xF7A, s2;
	p2 =	seq.s32 @!p0 s5, $0x0  }
0x1f: {  	s9 =	smul.u32 $0xF7A, s1;
	s8 =	simm.s32 @!p0 $0x1BF5;
	p2 =	por !p2, p0  }
0x20: {  	[sflag:s8] =	ssyncset.s32 @!p0 $0xFFFFF086;
	s6 =	sadd.s32 @!p0 s3, s7;
	s7 =	simm.s32 @!p0 $0x108  }
0x21: {  	s3 =	sadd.s32 s3, s9;
	s6 =	sadd.s32 @!p0 $0x88, s6;
	s7 =	simm.s32 @p2 $0x1082  }
0x22: {  	[simem:s7], [sflag:s8] =	dma.local @!p0 [hbm:s6], $0xF7A  }
0x23: {  	s9 =	sor.u32 $0xD0000000, s2;
	s6 =	simm.s32 $0x108;
	_ =	swait.ge @!p0 [sflag:s8], $0x0  }
0x24: {  	s3 =	sadd.s32 $0x88, s3;
	s6 =	simm.s32 @!p1 $0x1082;
	[sflag:s4] =	ssyncset.s32 $0xFFFFF086  }
0x25: {  	[simem:s6], [sflag:s4] =	dma.local [hbm:s3], $0xF7A  }
0x26: {  	[smem:$0x3F8E] =	sst s1;
	(tag) =	ssettag s2;
	_ =	strace s9  }
0x27: {  	s1 =	sld [smem:$0x3F9E]  }
0x28: {  	s2 =	sld [smem:$0x3F9F]  }
0x29: {  	s4 =	sld [smem:$0x3FA1]  }
0x2a: {  	p0 =	seq.s32 s5, $0x0;
	s5 =	sld [smem:$0x3FA2]  }
0x2b: {  	s6 =	sld [smem:$0x3FA3]  }
0x2c: {  	s7 =	sld [smem:$0x3FA4]  }
0x2d: {  	s3 =	simm.s32 $0x108;
	s8 =	sld [smem:$0x3FA5]  }
0x2e: {  	s3 =	simm.s32 @!p0 $0x1082;
	s9 =	sld [smem:$0x3FA6]  }
0x2f: {  	lr =	sadd.s32 s0, s3;
	s0 =	sld [smem:$0x3F9D]  }
0x30: {  	s3 =	sld [smem:$0x3FA0]  }
0x31: {  	[smem:$0x3FA9] =	sst s10  }
0x32: {  	s10 =	sld [smem:$0x3FA7];
	_ =	sdelay $0x3  }
0x33: {  	p0 =	seq.s32 s10, $0x1;
	s10 =	sld [smem:$0x3FA9];
	_ =	sdelay $0x3  }
0x34: {  	[smem:$0x3FA9] =	sst s10  }
0x35: {  	s10 =	sld [smem:$0x3FA8];
	_ =	sdelay $0x3  }
0x36: {  	p1 =	seq.s32 s10, $0x1;
	s10 =	sld [smem:$0x3FA9];
	_ =	sdelay $0x3  }
0x37: {  	[smem:$0x3FA9] =	sst s10  }
0x38: {  	s10 =	sld [smem:$0x3FAA]  }
0x39: {  	_ = 	snop;
	(pc) =	sbr.ind lr, $3  }
0x3a: {  	_ = 	snop  }
0x3b: {  	_ = 	snop  }
0x3c: {  	p2 =	seq.s32 s10, $0x1;
	s10 =	sld [smem:$0x3FA9]  }
0x3d: {  	_ =	shalt  }
0x3e: {  	_ =	shalt  }
0x3f: {  	_ =	shalt  }
0x40: {  	_ =	shalt  }
0x41: {  	_ =	shalt  }
0x42: {  	_ =	shalt  }
0x43: {  	_ =	shalt  }
0x44: {  	_ =	shalt  }
0x45: {  	_ =	shalt  }
0x46: {  	_ =	shalt  }
0x47: {  	_ =	shalt  }
0x48: {  	_ =	shalt  }
0x49: {  	_ =	shalt  }
0x4a: {  	_ =	shalt  }
0x4b: {  	_ =	shalt  }
0x4c: {  	_ =	shalt  }
0x4d: {  	_ =	shalt  }
0x4e: {  	_ =	shalt  }
0x4f: {  	_ =	shalt  }
0x50: {  	_ =	shalt  }
0x51: {  	_ =	shalt  }
0x52: {  	_ =	shalt  }
0x53: {  	_ =	shalt  }
0x54: {  	_ =	shalt  }
0x55: {  	_ =	shalt  }
0x56: {  	_ =	shalt  }
0x57: {  	_ =	shalt  }
0x58: {  	_ =	shalt  }
0x59: {  	_ =	shalt  }
0x5a: {  	_ =	shalt  }
0x5b: {  	_ =	shalt  }
0x5c: {  	_ =	shalt  }
0x5d: {  	_ =	shalt  }
0x5e: {  	_ =	shalt  }
0x5f: {  	_ =	shalt  }
0x60: {  	_ =	shalt  }
0x61: {  	_ =	shalt  }
0x62: {  	_ =	shalt  }
0x63: {  	_ =	shalt  }
0x64: {  	_ =	shalt  }
0x65: {  	_ =	shalt  }
0x66: {  	_ =	shalt  }
0x67: {  	_ =	shalt  }
0x68: {  	_ =	shalt  }
0x69: {  	_ =	shalt  }
0x6a: {  	_ =	shalt  }
0x6b: {  	_ =	shalt  }
0x6c: {  	_ =	shalt  }
0x6d: {  	_ =	shalt  }
0x6e: {  	_ =	shalt  }
0x6f: {  	_ =	shalt  }
0x70: {  	_ =	shalt  }
0x71: {  	_ =	shalt  }
0x72: {  	_ =	shalt  }
0x73: {  	_ =	shalt  }
0x74: {  	_ =	shalt  }
0x75: {  	_ =	shalt  }
0x76: {  	_ =	shalt  }
0x77: {  	_ =	shalt  }
0x78: {  	_ =	shalt  }
0x79: {  	_ =	shalt  }
0x7a: {  	_ =	shalt  }
0x7b: {  	_ =	shalt  }
0x7c: {  	_ =	shalt  }
0x7d: {  	_ =	shalt  }
0x7e: {  	_ =	shalt  }
0x7f: {  	_ =	shalt  }
0x80: {  	_ =	shalt  }
0x81: {  	_ =	shalt  }
0x82: {  	_ =	shalt  }
0x83: {  	_ =	shalt  }
0x84: {  	_ =	shalt  }
0x85: {  	_ =	shalt  }
0x86: {  	_ =	shalt  }
0x87: {  	_ =	shalt  }
.Lfunc_end0:
.L_simem_size_0:
called_computation_lowered:
.L_overlay_start_0:
0x88: {  	s2 =	sld [smem:$0x3FD9]  }
0x89: {  	s3 =	sld [smem:$0x3FFE];
	_ =	sdelay $0x1  }
0x8a: {  	s1 =	srdreg.scid  }
0x8b: {  	s0 =	sand.u32 $0x1, s1  }
0x8c: {  	s14 =	sshll.u32 s0, $0xA;
	s2 =	sadd.s32 s3, s2  }
0x8d: {  	s2 =	sadd.s32 s2, s14  }
0x8e: {  	[smem:$0x3FB5] =	sst s2  }
0x8f: {  	_ = 	snop  }
0x90: {  	s2 =	sld [smem:$0x3FD0];
	_ =	sdelay $0x2  }
0x91: {  	s15 =	simm.s32 $0xA;
	s4 =	simm.s32 $0x10  }
0x92: {  	[smem:s4], [sflag:s15] =	dma.local [hbm:s2], $0x1  }
0x93: {  	_ =	swait.eq [sflag:s15], $0x1  }
0x94: {  	[sflag:s15] =	ssyncset.done $0x0  }
0x95: {  	[sflag:s15] =	ssyncadd.s32 $0xFFFFFFFF  }
0x96: {  	s16 =	sld [smem:$0x12];
	(tm) =	ssettm $0x1  }
0x97: {  	s17 =	sld [smem:$0x3FFB];
	_ =	sdelay $0x3  }
0x98: {  	_ =	strace s17  }
0x99: {  	s3 =	sld [smem:$0x3FFC];
	_ =	sdelay $0x3  }
0x9a: {  	_ =	strace s3  }
0x9b: {  	s3 =	sld [smem:$0x3FFD];
	_ =	sdelay $0x3  }
0x9c: {  	_ =	strace s3  }
0x9d: {  	_ =	strace $0x8FFFFFFF  }
0x9e: {  	s18 =	sld [smem:$0x3FDB];
	_ =	sdelay $0x1  }
0x9f: {  	s19 =	simm.s32 $_scs_section_size  }
0xa0: {  	s5 =	simm.s32 $_size__tile_overlayer_lowered;
	s6 =	simm.s32 $_tile_overlayer_lowered  }
0xa1: {  	s22 =	simm.s32 $0x1BFF;
	s21 =	sshll.u32 s6, $0x1;
	s3 =	sadd.s32 s19, s18  }
0xa2: {  	s7 =	simm.s32 $0x0;
	s20 =	sshll.u32 s5, $0x1;
	s5 =	sadd.s32 s21, s3  }
0xa3: {  	[timem:s7], [sflag:s22] =	dma.local [hbm:s5], s20  }
0xa4: {  	_ =	swait.ge [sflag:s22], s20  }
0xa5: {  	s4 =	ssub.s32 $0x0, s20;
	[sflag:s22] =	ssyncset.done $0x0  }
0xa6: {  	[sflag:s22] =	ssyncadd.s32 s4;
	_ =	sdelay $0x1  }
0xa7: {  	s23 =	simm.s32 $0x1B8B  }
0xa8: {  	_ =	swait.ge [sflag:s23], $0x1  }
0xa9: {  	[sflag:s23] =	ssyncset.done $0x0  }
0xaa: {  	s25 =	simm.s32 $0x1B8E;
	s24 =	sld [smem:$0x3FFE];
	[sflag:s23] =	ssyncadd.s32 $0xFFFFFFFF  }
0xab: {  	s26 =	simm.s32 $execute0_lowered;
	[smem:$0x3FD2] =	sst s25  }
0xac: {  	s5 =	sshll.u32 s26, $0x1;
	_ =	strace $0x80000046;
	[dreg:$0x1] =	wrdreg $0xFFFFFFFF  }
0xad: {  	s28 =	simm.s32 $_size_execute0_lowered;
	s3 =	sadd.s32 s3, s5;
	[dreg:$0x0] =	wrdreg $0x0  }
0xae: {  	s5 =	sshll.u32 s28, $0x1;
	[dreg:$0x2] =	wrdreg s3  }
0xaf: {  	[dreg:$0x3] =	wrdreg s5  }
0xb0: {  	[dreg:$0x4] =	wrdreg $0xC0  }
0xb1: {  	_ =	task [dreg:s7], $0x5FFFF  }
0xb2: {  	[dreg:$0x1] =	wrdreg $0xFFFFFFFF  }
0xb3: {  	[dreg:$0x0] =	wrdreg $0x60  }
0xb4: {  	[dreg:$0x2] =	wrdreg s24  }
0xb5: {  	[dreg:$0x3] =	wrdreg s16  }
0xb6: {  	[dreg:$0x4] =	wrdreg $0x9  }
0xb7: {  	_ =	task.clear_ibuf [dreg:s7], $0x5FFFF;
	_ =	strace $0x90000046  }
0xb8: {  	s29 =	simm.s32 $0x9;
	_ =	strace $0x80000048  }
0xb9: {  	_ =	swait.ge [sflag:s29], $0x1  }
0xba: {  	[sflag:s29] =	ssyncadd.s32 $0xFFFFFFFF  }
0xbb: {  	_ =	strace $0x90000048  }
0xbc: {  	_ =	sfence  }
0xbd: {  	s30 =	sld [smem:$0x0];
	_ =	sdelay $0x2  }
0xbe: {  	s31 =	sshll.u32 s1, $0xD;
	s1 =	sshrl.u32 s1, $0x2  }
0xbf: {  	s3 =	sand.u32 $0x4000, s31;
	s1 =	sadd.s32 s1, s30  }
0xc0: {  	s0 =	sor.u32 s3, s0;
	s1 =	sshll.u32 s1, $0x11  }
0xc1: {  	s0 =	sor.u32 s1, s0  }
0xc2: {  	s0 =	sadd.s32 $0x8F2B, s0  }
0xc3: {  	[sflag:s0] =	ssyncadd.remote.s32 $0x1  }
0xc4: {  	_ =	sfence.sel $0xFFFF  }
0xc5: {  	[dreg:$0x0] =	wrdreg $0xFFFFFFFF;
	(pc) =	sbr.abs _section_cstart, $3  }
0xc6: {  	[dreg:$0x1] =	wrdreg $0xFFFFFFFF  }
0xc7: {  	_ =	task.clear_ibuf [dreg:s7], $0x2FFFF;
	_ =	strace $0x9FFFFFFF  }
0xc8: {  	(tm) =	ssettm $0x7FFFFFFF  }
0xc9: {  	_ =	shalt  }
tec
execute0_lowered:
.L_overlay_start_1:
0x0: {  	(tag) =	ssettag $0x1  }
0x1: {  	s4 =	rddreg [dreg:$0x0]  }
0x2: {  	s5 =	rddreg [dreg:$0x1]  }
0x3: {  	s0 =	rddreg [dreg:$0x2]  }
0x4: {  	s3 =	srdreg.scid;
	s1 =	stileid.u32  }
0x5: {  	s2 =	simm.s32 $0x0;
	s10 =	simm.s32 $0x1;
	s11 =	simm.s32 $0x0  }
0x6: {  	s3 =	sand.u32 $0x1, s3;
	s6 =	smul.u32 $0x78000, s1;
	[smem:$0x7FF] =	sst s2  }
0x7: {  	s8 =	sshll.u32 s1, $0x1;
	s7 =	smul.u32 $0x3C000, s3;
	s9 =	ssub.s32 $0x2, s3  }
0x8: {  	_ =	strace $0x80000047;
	s3 =	sor.u32 s3, s8;
	s31 =	sshrl.u32 s9, $0x1  }
0x9: {  	s8 =	smul.u32 $0xF0, s3;
	s3 =	sadd.s32 $0x188A00, s4;
	s6 =	sadd.s32 s7, s6  }
0xa: {  	s7 =	ssub.s32 s9, s31;
	s9 =	simm.s32 $0x780;
	s6 =	sshrl.u32 s6, $0x3  }
0xb: {  	s6 =	sadd.s32 s6, s4;
	s4 =	sadd.s32 s5, s8;
	s5 =	smax.u32 s7, $0x1  }
0xc: {  	s7 =	simm.s32 $0x2;
	s8 =	simm.s32 $0x80;
	s6 =	sadd.s32 $0x2000, s6  }
.LBB2_1:
0xd: {  	[tilespmem:s2], [sflag:$0x2] =	stream.linear.gather [hbm4b:s4+s2], $0x780, $0x38;
	[tilespmem:$0x4780] =	vst v63  }
0xe: {  	_ =	swait.ge [sflag:s7], $0x780  }
0xf: {  	[sflag:s7] =	ssyncset.done $0x0  }
0x10: {  	s12 =	simm.s32 $0x0;
	[sflag:s7] =	ssyncadd.s32 $0xFFFFF880  }
0x11: {  	[tilespmem:s9], [sflag:$0x1] =	stream.indirect.gather [hbm4b:s3+s8], $0x80, s12, s8, $0xb8;
	[tilespmem:$0x4780] =	vst v63  }
0x12: {  	_ =	swait.ge [sflag:s10], $0x4000  }
0x13: {  	[sflag:s10] =	ssyncset.done $0x0  }
0x14: {  	[sflag:s10] =	ssyncadd.s32 $0xFFFFC000  }
0x15: {  	[hbm4b:s6+s2] =	stream.linear.scatter [tilespmem:s9], [sflag:$0x2], $0x4000, $0x38;
	[tilespmem:$0x4780] =	vst v63  }
0x16: {  	s13 =	simm.s32 $0x200;
	_ =	swait.ge [sflag:s7], $0x4000  }
0x17: {  	s14 =	simm.s32 $0x400;
	s12 =	sadd.s32 $0x800, s6;
	[sflag:s7] =	ssyncset.done $0x0  }
.LBB2_2:
0x18: {  	s15 =	sshra.s32 s13, $0x2  }
0x19: {  	[sflag:s7] =	ssyncadd.s32 $0xFFFFC000;
	s13 =	smov.u32 s14;
	s16 =	sadd.s32 $0x200, s14  }
0x1a: {  	[tilespmem:s9], [sflag:$0x1] =	stream.indirect.gather [hbm4b:s3+s8], $0x80, s15, s8, $0xb8;
	[tilespmem:$0x4780] =	vst v63  }
0x1b: {  	p0 =	sne.s32 s14, $0x1C00;
	_ =	swait.ge [sflag:s10], $0x4000  }
.Ltmp0:
0x1c: {  	[sflag:s10] =	ssyncset.done $0x0;
	(pc) =	sbr.rel @p0 .LBB2_2-.Ltmp0, $4  }
0x1d: {  	[sflag:s10] =	ssyncadd.s32 $0xFFFFC000  }
0x1e: {  	[hbm4b:s12+s2] =	stream.linear.scatter [tilespmem:s9], [sflag:$0x2], $0x4000, $0x38;
	[tilespmem:$0x4780] =	vst v63  }
0x1f: {  	_ =	swait.ge [sflag:s7], $0x4000  }
0x20: {  	s14 =	smov.u32 s16;
	s12 =	sadd.s32 $0x800, s12;
	[sflag:s7] =	ssyncset.done $0x0  }
0x21: {  	s13 =	sshra.s32 s13, $0x2;
	[sflag:s7] =	ssyncadd.s32 $0xFFFFC000  }
0x22: {  	[tilespmem:s9], [sflag:$0x1] =	stream.indirect.gather [hbm4b:s3+s8], $0x80, s13, s8, $0xb8;
	[tilespmem:$0x4780] =	vst v63  }
0x23: {  	s11 =	sadd.s32 $0x1, s11;
	_ =	swait.ge [sflag:s10], $0x4000  }
0x24: {  	p0 =	sne.s32 s11, s5;
	[sflag:s10] =	ssyncset.done $0x0  }
.Ltmp1:
0x25: {  	[sflag:s10] =	ssyncadd.s32 $0xFFFFC000;
	(pc) =	sbr.rel @p0 .LBB2_1-.Ltmp1, $4  }
0x26: {  	[hbm4b:s12+s2] =	stream.linear.scatter [tilespmem:s9], [sflag:$0x2], $0x4000, $0x38;
	[tilespmem:$0x4780] =	vst v63  }
0x27: {  	_ =	swait.ge [sflag:s7], $0x4000  }
0x28: {  	[sflag:s7] =	ssyncset.done $0x0  }
0x29: {  	[sflag:s7] =	ssyncadd.s32 $0xFFFFC000  }
0x2a: {  	_ =	sfence.sel $0x180000  }
0x2b: {  	[bflag:$0x0] =	sbarrier.arrive $0xFFFF  }
0x2c: {  	p0 =	sne.s32 s1, $0x0;
	_ =	strace $0x90000047  }
0x2d: {  	s0 =	sadd.s32 @!p0 $0x100000, s0;
	[bflag:$0x2] =	sbarrier.arrive $0xFFFF  }
0x2e: {  	[sflag:s0] =	ssyncadd.tile.s32 @!p0 $0x1;
	_ =	shalt  }
.Lfunc_end2:
_tile_overlayer_lowered:
.L_overlay_start_2:
0x2f: {  	(tag) =	ssettag $0x2  }
0x30: {  	s0 =	rddreg [dreg:$0x0];
	s2 =	stileid.u32  }
0x31: {  	s1 =	rddreg [dreg:$0x1];
	p0 =	sne.s32 s2, $0x0  }
0x32: {  	s3 =	rddreg [dreg:$0x2];
	[bflag:$0x3] =	sbarrier.arrive $0xFFFF;
	s2 =	simm.s32 @!p0 $0x1C02  }
0x33: {  	[timem:s3], [sflag:s2] =	dma.local @!p0 [hbm:s0], s1  }
0x34: {  	s0 =	simm.s32 @!p0 $0x2  }
0x35: {  	_ =	swait.ge @!p0 [sflag:s0], s1  }
0x36: {  	s1 =	ssub.s32 @!p0 $0x0, s1;
	[sflag:s0] =	ssyncset.done @!p0 $0x0  }
0x37: {  	[sflag:s0] =	ssyncadd.s32 @!p0 s1  }
0x38: {  	[bflag:$0x3] =	sbarrier.arrive $0xFFFF  }
0x39: {  	_ =	shalt  }

</sc_bundles>
